<compile_context>
chip_gen: v7x
topology: tpu7x:2x2x1
jax: 0.10.2.dev20260603
libtpu: 0.0.44.dev20260713+nightly
codegen_flags: <defaults>
</compile_context>

<pallas_src>
import jax
import jax.numpy as jnp
from jax import lax
from jax.experimental import pallas as pl
from jax.experimental.pallas import tpu as pltpu
from jax.experimental.pallas import tpu_sc as plsc

N = 320000
D = 128
S = 512
NC = 2
NS = 16
NW = NC * NS
RPW = N // NW
K = 100
G = RPW // K
CHUNK = 200
GPC = CHUNK // K
NCHUNK = RPW // CHUNK
ROWS_PER_TILE_INIT = S // NS
HB = 16000
HG = N // HB


def _sc_segment_sum(H_v, bidx, zacc):
    mesh = plsc.VectorSubcoreMesh(core_axis_name="c", subcore_axis_name="s")

    def body(hv, idx_hbm, zacc_hbm, psum, idx_v, buf0, buf1, acc_sh,
             sem0, sem1, semS):
        cid = lax.axis_index("c")
        sid = lax.axis_index("s")
        wid = cid * NS + sid
        row_base = wid * RPW

        pltpu.sync_copy(idx_hbm.at[wid], idx_v)
        r0 = sid * ROWS_PER_TILE_INIT
        pltpu.sync_copy(zacc_hbm.at[pl.ds(r0, ROWS_PER_TILE_INIT)],
                        acc_sh.at[pl.ds(r0, ROWS_PER_TILE_INIT)])
        plsc.subcore_barrier()

        def hv_chunk(c):
            return hv.at[pl.ds(row_base + c * CHUNK, CHUNK)]

        def issue(c, buf, sem):
            pltpu.async_copy(hv_chunk(c), buf, sem)

        def wait(c, buf, sem):
            pltpu.make_async_copy(hv_chunk(c), buf, sem).wait()

        def scatter(c, buf):
            for g in range(GPC):
                jg = c * GPC + g
                pltpu.async_copy(buf.at[pl.ds(g * K, K)],
                                 acc_sh.at[idx_v.at[jg]], semS, add=True)
                pltpu.make_async_copy(
                    buf.at[pl.ds(g * K, K)], acc_sh.at[idx_v.at[jg]],
                    semS).wait()

        issue(0, buf0, sem0)

        def pair_body(j, carry):
            c0 = 2 * j
            wait(c0, buf0, sem0)
            issue(c0 + 1, buf1, sem1)
            scatter(c0, buf0)
            wait(c0 + 1, buf1, sem1)
            issue(c0 + 2, buf0, sem0)
            scatter(c0 + 1, buf1)
            return carry

        lax.fori_loop(0, (NCHUNK - 1) // 2, pair_body, 0)
        if NCHUNK % 2:
            wait(NCHUNK - 1, buf0, sem0)
            scatter(NCHUNK - 1, buf0)
        else:
            wait(NCHUNK - 2, buf0, sem0)
            issue(NCHUNK - 1, buf1, sem1)
            scatter(NCHUNK - 2, buf0)
            wait(NCHUNK - 1, buf1, sem1)
            scatter(NCHUNK - 1, buf1)
        plsc.subcore_barrier()

        pltpu.sync_copy(acc_sh.at[pl.ds(r0, ROWS_PER_TILE_INIT)],
                        psum.at[cid, pl.ds(r0, ROWS_PER_TILE_INIT)])

    fn = pl.kernel(
        body,
        out_type=jax.ShapeDtypeStruct((NC, S, D), jnp.float32),
        mesh=mesh,
        scratch_types=(
            pltpu.VMEM((G, K), jnp.int32),
            pltpu.VMEM((CHUNK, D), jnp.float32),
            pltpu.VMEM((CHUNK, D), jnp.float32),
            pltpu.VMEM_SHARED((S, D), jnp.float32),
            pltpu.SemaphoreType.DMA,
            pltpu.SemaphoreType.DMA,
            pltpu.SemaphoreType.DMA,
        ),
    )
    return fn(H_v, bidx, zacc)


def _hist_body(b_ref, out_ref):
    ids = b_ref[...]
    q = lax.shift_right_logical(ids, 7)
    r = lax.bitwise_and(ids, 127)
    q_oh = (q == lax.broadcasted_iota(jnp.int32, (HB, 4), 1)
            ).astype(jnp.bfloat16)
    r_oh = (r == lax.broadcasted_iota(jnp.int32, (HB, 128), 1)
            ).astype(jnp.bfloat16)
    cmat = lax.dot_general(q_oh, r_oh, (((0,), (0,)), ((), ())),
                           preferred_element_type=jnp.float32)
    acc = jnp.concatenate([cmat, jnp.zeros((4, 128), jnp.float32)], axis=0)

    @pl.when(pl.program_id(0) == 0)
    def _init():
        out_ref[...] = jnp.zeros((8, 128), jnp.float32)

    out_ref[...] += acc


def _segment_counts(batch):
    bcol = batch.reshape(N, 1)
    hist = pl.pallas_call(
        _hist_body,
        grid=(HG,),
        in_specs=[pl.BlockSpec((HB, 1), lambda i: (i, 0))],
        out_specs=pl.BlockSpec((8, 128), lambda i: (0, 0)),
        out_shape=jax.ShapeDtypeStruct((8, 128), jnp.float32),
    )(bcol)
    return hist[0:4].reshape(S, 1)


def _finalize_body(ps_ref, pc_ref, out_ref):
    sums = ps_ref[0] + ps_ref[1]
    counts = jnp.maximum(pc_ref[...], 1.0)
    out_ref[...] = sums / counts


def kernel(H_v, batch):
    bidx = batch.reshape(NW, G, K)
    zacc = jnp.zeros((S, D), jnp.float32)
    psum = _sc_segment_sum(H_v, bidx, zacc)
    counts = _segment_counts(batch)
    return pl.pallas_call(
        _finalize_body,
        out_shape=jax.ShapeDtypeStruct((S, D), jnp.float32),
    )(psum, counts)

# --- scband reference (transcript-rebuilt; emitter-appended) ---
"""Pipeline reference for scband-mean-aggregation-57921928954077 (READ-ONLY COPY).

The authoritative reference and input builder live on the scoring server;
editing this copy changes nothing except your own understanding.
"""

import jax, jax.numpy as jnp
import numpy as np


def setup_inputs(seed: int = 0) -> dict:
    key = jax.random.key(seed)
    k1, k2 = jax.random.split(key)
    H_v = jax.random.normal(k1, (320000, 128), dtype=jnp.float32)
    batch = jnp.sort(jax.random.randint(k2, (320000,), 0, 512, dtype=jnp.int32))
    return {"H_v": H_v, "batch": batch}


def reference(H_v, batch):
    num_segments = 512
    # scatter_add_ of node embeddings per graph
    sums = jax.ops.segment_sum(H_v, batch, num_segments=num_segments)
    # scatter_add_ of ones -> per-graph node counts
    counts = jax.ops.segment_sum(
        jnp.ones((H_v.shape[0],), dtype=jnp.float32), batch, num_segments=num_segments
    )
    counts = jnp.maximum(counts, 1.0)[:, None]
    return sums / counts

if __name__ == "__main__":
    import jax
    _d = setup_inputs()
    print(jax.jit(kernel)(*tuple(_d.values())))

</pallas_src>

<mosaic_0001>
#map = affine_map<(d0, d1) -> (0, 0)>
#map1 = affine_map<(d0, d1) -> (0, 0, 0)>
module attributes {stable_mosaic.version = 14 : i64} {
  func.func @body(%arg0: i32, %arg1: i32, %arg2: memref<320000x128xf32, #tpu.memory_space<hbm>>, %arg3: memref<32x100x100xi32, #tpu.memory_space<hbm>>, %arg4: memref<512x128xf32, #tpu.memory_space<hbm>>, %arg5: memref<2x512x128xf32, #tpu.memory_space<hbm>>, %arg6: memref<100x100xi32, #tpu.memory_space<vmem>>, %arg7: memref<200x128xf32, #tpu.memory_space<vmem>>, %arg8: memref<200x128xf32, #tpu.memory_space<vmem>>, %arg9: memref<512x128xf32, #tpu.memory_space<vmem_shared>>, %arg10: memref<!tpu.dma_semaphore, #tpu.memory_space<semaphore_mem>>, %arg11: memref<!tpu.dma_semaphore, #tpu.memory_space<semaphore_mem>>, %arg12: memref<!tpu.dma_semaphore, #tpu.memory_space<semaphore_mem>>) attributes {dimension_semantics = [#tpu.dimension_semantics<core_parallel>, #tpu.dimension_semantics<subcore_parallel>], iteration_bounds = array<i64: 2, 16>, scalar_prefetch = 0 : i64, scratch_operands = 7 : i64, tpu.core_type = #tpu.core_type<sc_vector_subcore>, window_params = [{transform_indices = #map}, {transform_indices = #map1}, {transform_indices = #map}, {transform_indices = #map1}]} {
    %mul3A = arith.constant 16 : i32
    %mul3A_0 = arith.muli %arg0, %mul3A : i32
    %add3A = arith.addi %mul3A_0, %arg1 : i32
    %mul3A_1 = arith.constant 10000 : i32
    %mul3A_2 = arith.muli %add3A, %mul3A_1 : i32
    "tpu.region"() ({
      %run_scoped3A = tpu.sem_alloc : memref<!tpu.dma_semaphore, #tpu.memory_space<semaphore_mem>>
      %dma_start3A_113 = arith.constant 0 : i32
      %dma_start3A_114 = arith.constant 0 : i32
      %dma_start3A_115 = tpu.memref_slice %arg3[%add3A, %dma_start3A_113, %dma_start3A_114] : memref<32x100x100xi32, #tpu.memory_space<hbm>> -> memref<1x100x100xi32, #tpu.memory_space<hbm>>
      %dma_start3A_116 = tpu.memref_squeeze %dma_start3A_115 : memref<1x100x100xi32, #tpu.memory_space<hbm>> -> memref<100x100xi32, #tpu.memory_space<hbm>>
      %dma_start3A_117 = arith.constant 0 : i32
      %dma_start3A_118 = arith.constant 0 : i32
      %dma_start3A_119 = tpu.memref_slice %arg3[%add3A, %dma_start3A_117, %dma_start3A_118] : memref<32x100x100xi32, #tpu.memory_space<hbm>> -> memref<1x100x100xi32, #tpu.memory_space<hbm>>
      %dma_start3A_120 = tpu.memref_squeeze %dma_start3A_119 : memref<1x100x100xi32, #tpu.memory_space<hbm>> -> memref<100x100xi32, #tpu.memory_space<hbm>>
      tpu.enqueue_dma source(%dma_start3A_120 : memref<100x100xi32, #tpu.memory_space<hbm>>) target(%arg6 : memref<100x100xi32, #tpu.memory_space<vmem>>) target_semaphore(%run_scoped3A : memref<!tpu.dma_semaphore, #tpu.memory_space<semaphore_mem>>)
      %dma_wait3A_121 = arith.constant 0 : i32
      %dma_wait3A_122 = arith.constant 0 : i32
      %dma_wait3A_123 = tpu.memref_slice %arg3[%add3A, %dma_wait3A_121, %dma_wait3A_122] : memref<32x100x100xi32, #tpu.memory_space<hbm>> -> memref<1x100x100xi32, #tpu.memory_space<hbm>>
      %dma_wait3A_124 = tpu.memref_squeeze %dma_wait3A_123 : memref<1x100x100xi32, #tpu.memory_space<hbm>> -> memref<100x100xi32, #tpu.memory_space<hbm>>
      %dma_wait3A_125 = arith.constant 0 : i32
      %dma_wait3A_126 = arith.constant 0 : i32
      %dma_wait3A_127 = tpu.memref_slice %arg3[%add3A, %dma_wait3A_125, %dma_wait3A_126] : memref<32x100x100xi32, #tpu.memory_space<hbm>> -> memref<1x100x100xi32, #tpu.memory_space<hbm>>
      %dma_wait3A_128 = tpu.memref_squeeze %dma_wait3A_127 : memref<1x100x100xi32, #tpu.memory_space<hbm>> -> memref<100x100xi32, #tpu.memory_space<hbm>>
      tpu.wait_dma2 semaphore(%run_scoped3A : memref<!tpu.dma_semaphore, #tpu.memory_space<semaphore_mem>>) src(%dma_wait3A_128 : memref<100x100xi32, #tpu.memory_space<hbm>>) dst(%arg6 : memref<100x100xi32, #tpu.memory_space<vmem>>)
      tpu.yield
    }) : () -> ()
    %mul3A_3 = arith.constant 32 : i32
    %mul3A_4 = arith.muli %arg1, %mul3A_3 : i32
    "tpu.region"() ({
      %run_scoped3A = tpu.sem_alloc : memref<!tpu.dma_semaphore, #tpu.memory_space<semaphore_mem>>
      %dma_start3A_113 = arith.constant 0 : i32
      %dma_start3A_114 = tpu.memref_slice %arg9[%mul3A_4, %dma_start3A_113] : memref<512x128xf32, #tpu.memory_space<vmem_shared>> -> memref<32x128xf32, #tpu.memory_space<vmem_shared>>
      %dma_start3A_115 = arith.constant 0 : i32
      %dma_start3A_116 = tpu.memref_slice %arg4[%mul3A_4, %dma_start3A_115] : memref<512x128xf32, #tpu.memory_space<hbm>> -> memref<32x128xf32, #tpu.memory_space<hbm>>
      tpu.enqueue_dma source(%dma_start3A_116 : memref<32x128xf32, #tpu.memory_space<hbm>>) target(%dma_start3A_114 : memref<32x128xf32, #tpu.memory_space<vmem_shared>>) target_semaphore(%run_scoped3A : memref<!tpu.dma_semaphore, #tpu.memory_space<semaphore_mem>>)
      %dma_wait3A_117 = arith.constant 0 : i32
      %dma_wait3A_118 = tpu.memref_slice %arg9[%mul3A_4, %dma_wait3A_117] : memref<512x128xf32, #tpu.memory_space<vmem_shared>> -> memref<32x128xf32, #tpu.memory_space<vmem_shared>>
      %dma_wait3A_119 = arith.constant 0 : i32
      %dma_wait3A_120 = tpu.memref_slice %arg4[%mul3A_4, %dma_wait3A_119] : memref<512x128xf32, #tpu.memory_space<hbm>> -> memref<32x128xf32, #tpu.memory_space<hbm>>
      tpu.wait_dma2 semaphore(%run_scoped3A : memref<!tpu.dma_semaphore, #tpu.memory_space<semaphore_mem>>) src(%dma_wait3A_120 : memref<32x128xf32, #tpu.memory_space<hbm>>) dst(%dma_wait3A_118 : memref<32x128xf32, #tpu.memory_space<vmem_shared>>)
      tpu.yield
    }) : () -> ()
    %barrier3A = arith.constant 0 : index
    tpu.barrier barrier_id(%barrier3A)
    %add3A_5 = arith.constant 0 : i32
    %add3A_6 = arith.addi %mul3A_2, %add3A_5 : i32
    %dma_start3A = arith.constant 0 : i32
    %dma_start3A_7 = tpu.memref_slice %arg2[%add3A_6, %dma_start3A] : memref<320000x128xf32, #tpu.memory_space<hbm>> -> memref<200x128xf32, #tpu.memory_space<hbm>>
    %dma_start3A_8 = arith.constant 0 : i32
    %dma_start3A_9 = tpu.memref_slice %arg2[%add3A_6, %dma_start3A_8] : memref<320000x128xf32, #tpu.memory_space<hbm>> -> memref<200x128xf32, #tpu.memory_space<hbm>>
    tpu.enqueue_dma source(%dma_start3A_9 : memref<200x128xf32, #tpu.memory_space<hbm>>) target(%arg7 : memref<200x128xf32, #tpu.memory_space<vmem>>) target_semaphore(%arg10 : memref<!tpu.dma_semaphore, #tpu.memory_space<semaphore_mem>>)
    %scan3A = arith.constant 0 : i32
    %scan3A_10 = arith.constant 0 : i32
    %scan3A_11 = arith.constant 24 : i32
    %scan3A_12 = arith.addi %scan3A_10, %scan3A_11 : i32
    %scan3A_13 = arith.constant 1 : i32
    scf.for %scan3A_113 = %scan3A_10 to %scan3A_12 step %scan3A_13  : i32 {
      %mul3A_114 = arith.constant 2 : i32
      %mul3A_115 = arith.muli %mul3A_114, %scan3A_113 : i32
      %mul3A_116 = arith.constant 200 : i32
      %mul3A_117 = arith.muli %mul3A_115, %mul3A_116 : i32
      %add3A_118 = arith.addi %mul3A_2, %mul3A_117 : i32
      %dma_wait3A_119 = arith.constant 0 : i32
      %dma_wait3A_120 = tpu.memref_slice %arg2[%add3A_118, %dma_wait3A_119] : memref<320000x128xf32, #tpu.memory_space<hbm>> -> memref<200x128xf32, #tpu.memory_space<hbm>>
      %dma_wait3A_121 = arith.constant 0 : i32
      %dma_wait3A_122 = tpu.memref_slice %arg2[%add3A_118, %dma_wait3A_121] : memref<320000x128xf32, #tpu.memory_space<hbm>> -> memref<200x128xf32, #tpu.memory_space<hbm>>
      tpu.wait_dma2 semaphore(%arg10 : memref<!tpu.dma_semaphore, #tpu.memory_space<semaphore_mem>>) src(%dma_wait3A_122 : memref<200x128xf32, #tpu.memory_space<hbm>>) dst(%arg7 : memref<200x128xf32, #tpu.memory_space<vmem>>)
      %add3A_123 = arith.constant 1 : i32
      %add3A_124 = arith.addi %mul3A_115, %add3A_123 : i32
      %mul3A_125 = arith.constant 200 : i32
      %mul3A_126 = arith.muli %add3A_124, %mul3A_125 : i32
      %add3A_127 = arith.addi %mul3A_2, %mul3A_126 : i32
      %dma_start3A_128 = arith.constant 0 : i32
      %dma_start3A_129 = tpu.memref_slice %arg2[%add3A_127, %dma_start3A_128] : memref<320000x128xf32, #tpu.memory_space<hbm>> -> memref<200x128xf32, #tpu.memory_space<hbm>>
      %dma_start3A_130 = arith.constant 0 : i32
      %dma_start3A_131 = tpu.memref_slice %arg2[%add3A_127, %dma_start3A_130] : memref<320000x128xf32, #tpu.memory_space<hbm>> -> memref<200x128xf32, #tpu.memory_space<hbm>>
      tpu.enqueue_dma source(%dma_start3A_131 : memref<200x128xf32, #tpu.memory_space<hbm>>) target(%arg8 : memref<200x128xf32, #tpu.memory_space<vmem>>) target_semaphore(%arg11 : memref<!tpu.dma_semaphore, #tpu.memory_space<semaphore_mem>>)
      %mul3A_132 = arith.constant 2 : i32
      %mul3A_133 = arith.muli %mul3A_115, %mul3A_132 : i32
      %add3A_134 = arith.constant 0 : i32
      %add3A_135 = arith.addi %mul3A_133, %add3A_134 : i32
      %dma_start3A_136 = arith.constant 0 : i32
      %dma_start3A_137 = arith.constant 0 : i32
      %dma_start3A_138 = tpu.memref_slice %arg7[%dma_start3A_136, %dma_start3A_137] : memref<200x128xf32, #tpu.memory_space<vmem>> -> memref<100x128xf32, #tpu.memory_space<vmem>>
      %dma_start3A_139 = arith.constant 0 : i32
      %dma_start3A_140 = tpu.memref_slice %arg6[%add3A_135, %dma_start3A_139] : memref<100x100xi32, #tpu.memory_space<vmem>> -> memref<1x100xi32, #tpu.memory_space<vmem>>
      %dma_start3A_141 = tpu.memref_squeeze %dma_start3A_140 : memref<1x100xi32, #tpu.memory_space<vmem>> -> memref<100xi32, #tpu.memory_space<vmem>>
      %dma_start3A_142 = arith.constant 0 : i32
      %dma_start3A_143 = arith.constant 0 : i32
      %dma_start3A_144 = tpu.memref_slice %arg9[%dma_start3A_142, %dma_start3A_143] : memref<512x128xf32, #tpu.memory_space<vmem_shared>> -> memref<512x128xf32, #tpu.memory_space<vmem_shared>>
      tpu.enqueue_indirect_dma source(%dma_start3A_138 : memref<100x128xf32, #tpu.memory_space<vmem>>) target(%dma_start3A_144 : memref<512x128xf32, #tpu.memory_space<vmem_shared>>) offsets(%dma_start3A_141 : memref<100xi32, #tpu.memory_space<vmem>>) semaphore(%arg12 : memref<!tpu.dma_semaphore, #tpu.memory_space<semaphore_mem>>) {add = true}
      %dma_wait3A_145 = arith.constant 0 : i32
      %dma_wait3A_146 = arith.constant 0 : i32
      %dma_wait3A_147 = tpu.memref_slice %arg7[%dma_wait3A_145, %dma_wait3A_146] : memref<200x128xf32, #tpu.memory_space<vmem>> -> memref<100x128xf32, #tpu.memory_space<vmem>>
      %dma_wait3A_148 = arith.constant 0 : i32
      %dma_wait3A_149 = tpu.memref_slice %arg6[%add3A_135, %dma_wait3A_148] : memref<100x100xi32, #tpu.memory_space<vmem>> -> memref<1x100xi32, #tpu.memory_space<vmem>>
      %dma_wait3A_150 = tpu.memref_squeeze %dma_wait3A_149 : memref<1x100xi32, #tpu.memory_space<vmem>> -> memref<100xi32, #tpu.memory_space<vmem>>
      %dma_wait3A_151 = arith.constant 0 : i32
      %dma_wait3A_152 = arith.constant 0 : i32
      %dma_wait3A_153 = tpu.memref_slice %arg9[%dma_wait3A_151, %dma_wait3A_152] : memref<512x128xf32, #tpu.memory_space<vmem_shared>> -> memref<512x128xf32, #tpu.memory_space<vmem_shared>>
      tpu.wait_indirect_dma semaphore(%arg12 : memref<!tpu.dma_semaphore, #tpu.memory_space<semaphore_mem>>) src(%dma_wait3A_147 : memref<100x128xf32, #tpu.memory_space<vmem>>) dst(%dma_wait3A_153 : memref<512x128xf32, #tpu.memory_space<vmem_shared>>)
      %mul3A_154 = arith.constant 2 : i32
      %mul3A_155 = arith.muli %mul3A_115, %mul3A_154 : i32
      %add3A_156 = arith.constant 1 : i32
      %add3A_157 = arith.addi %mul3A_155, %add3A_156 : i32
      %dma_start3A_158 = arith.constant 100 : i32
      %dma_start3A_159 = arith.constant 0 : i32
      %dma_start3A_160 = tpu.memref_slice %arg7[%dma_start3A_158, %dma_start3A_159] : memref<200x128xf32, #tpu.memory_space<vmem>> -> memref<100x128xf32, #tpu.memory_space<vmem>>
      %dma_start3A_161 = arith.constant 0 : i32
      %dma_start3A_162 = tpu.memref_slice %arg6[%add3A_157, %dma_start3A_161] : memref<100x100xi32, #tpu.memory_space<vmem>> -> memref<1x100xi32, #tpu.memory_space<vmem>>
      %dma_start3A_163 = tpu.memref_squeeze %dma_start3A_162 : memref<1x100xi32, #tpu.memory_space<vmem>> -> memref<100xi32, #tpu.memory_space<vmem>>
      %dma_start3A_164 = arith.constant 0 : i32
      %dma_start3A_165 = arith.constant 0 : i32
      %dma_start3A_166 = tpu.memref_slice %arg9[%dma_start3A_164, %dma_start3A_165] : memref<512x128xf32, #tpu.memory_space<vmem_shared>> -> memref<512x128xf32, #tpu.memory_space<vmem_shared>>
      tpu.enqueue_indirect_dma source(%dma_start3A_160 : memref<100x128xf32, #tpu.memory_space<vmem>>) target(%dma_start3A_166 : memref<512x128xf32, #tpu.memory_space<vmem_shared>>) offsets(%dma_start3A_163 : memref<100xi32, #tpu.memory_space<vmem>>) semaphore(%arg12 : memref<!tpu.dma_semaphore, #tpu.memory_space<semaphore_mem>>) {add = true}
      %dma_wait3A_167 = arith.constant 100 : i32
      %dma_wait3A_168 = arith.constant 0 : i32
      %dma_wait3A_169 = tpu.memref_slice %arg7[%dma_wait3A_167, %dma_wait3A_168] : memref<200x128xf32, #tpu.memory_space<vmem>> -> memref<100x128xf32, #tpu.memory_space<vmem>>
      %dma_wait3A_170 = arith.constant 0 : i32
      %dma_wait3A_171 = tpu.memref_slice %arg6[%add3A_157, %dma_wait3A_170] : memref<100x100xi32, #tpu.memory_space<vmem>> -> memref<1x100xi32, #tpu.memory_space<vmem>>
      %dma_wait3A_172 = tpu.memref_squeeze %dma_wait3A_171 : memref<1x100xi32, #tpu.memory_space<vmem>> -> memref<100xi32, #tpu.memory_space<vmem>>
      %dma_wait3A_173 = arith.constant 0 : i32
      %dma_wait3A_174 = arith.constant 0 : i32
      %dma_wait3A_175 = tpu.memref_slice %arg9[%dma_wait3A_173, %dma_wait3A_174] : memref<512x128xf32, #tpu.memory_space<vmem_shared>> -> memref<512x128xf32, #tpu.memory_space<vmem_shared>>
      tpu.wait_indirect_dma semaphore(%arg12 : memref<!tpu.dma_semaphore, #tpu.memory_space<semaphore_mem>>) src(%dma_wait3A_169 : memref<100x128xf32, #tpu.memory_space<vmem>>) dst(%dma_wait3A_175 : memref<512x128xf32, #tpu.memory_space<vmem_shared>>)
      %add3A_176 = arith.constant 1 : i32
      %add3A_177 = arith.addi %mul3A_115, %add3A_176 : i32
      %mul3A_178 = arith.constant 200 : i32
      %mul3A_179 = arith.muli %add3A_177, %mul3A_178 : i32
      %add3A_180 = arith.addi %mul3A_2, %mul3A_179 : i32
      %dma_wait3A_181 = arith.constant 0 : i32
      %dma_wait3A_182 = tpu.memref_slice %arg2[%add3A_180, %dma_wait3A_181] : memref<320000x128xf32, #tpu.memory_space<hbm>> -> memref<200x128xf32, #tpu.memory_space<hbm>>
      %dma_wait3A_183 = arith.constant 0 : i32
      %dma_wait3A_184 = tpu.memref_slice %arg2[%add3A_180, %dma_wait3A_183] : memref<320000x128xf32, #tpu.memory_space<hbm>> -> memref<200x128xf32, #tpu.memory_space<hbm>>
      tpu.wait_dma2 semaphore(%arg11 : memref<!tpu.dma_semaphore, #tpu.memory_space<semaphore_mem>>) src(%dma_wait3A_184 : memref<200x128xf32, #tpu.memory_space<hbm>>) dst(%arg8 : memref<200x128xf32, #tpu.memory_space<vmem>>)
      %add3A_185 = arith.constant 2 : i32
      %add3A_186 = arith.addi %mul3A_115, %add3A_185 : i32
      %mul3A_187 = arith.constant 200 : i32
      %mul3A_188 = arith.muli %add3A_186, %mul3A_187 : i32
      %add3A_189 = arith.addi %mul3A_2, %mul3A_188 : i32
      %dma_start3A_190 = arith.constant 0 : i32
      %dma_start3A_191 = tpu.memref_slice %arg2[%add3A_189, %dma_start3A_190] : memref<320000x128xf32, #tpu.memory_space<hbm>> -> memref<200x128xf32, #tpu.memory_space<hbm>>
      %dma_start3A_192 = arith.constant 0 : i32
      %dma_start3A_193 = tpu.memref_slice %arg2[%add3A_189, %dma_start3A_192] : memref<320000x128xf32, #tpu.memory_space<hbm>> -> memref<200x128xf32, #tpu.memory_space<hbm>>
      tpu.enqueue_dma source(%dma_start3A_193 : memref<200x128xf32, #tpu.memory_space<hbm>>) target(%arg7 : memref<200x128xf32, #tpu.memory_space<vmem>>) target_semaphore(%arg10 : memref<!tpu.dma_semaphore, #tpu.memory_space<semaphore_mem>>)
      %add3A_194 = arith.constant 1 : i32
      %add3A_195 = arith.addi %mul3A_115, %add3A_194 : i32
      %mul3A_196 = arith.constant 2 : i32
      %mul3A_197 = arith.muli %add3A_195, %mul3A_196 : i32
      %add3A_198 = arith.constant 0 : i32
      %add3A_199 = arith.addi %mul3A_197, %add3A_198 : i32
      %dma_start3A_200 = arith.constant 0 : i32
      %dma_start3A_201 = arith.constant 0 : i32
      %dma_start3A_202 = tpu.memref_slice %arg8[%dma_start3A_200, %dma_start3A_201] : memref<200x128xf32, #tpu.memory_space<vmem>> -> memref<100x128xf32, #tpu.memory_space<vmem>>
      %dma_start3A_203 = arith.constant 0 : i32
      %dma_start3A_204 = tpu.memref_slice %arg6[%add3A_199, %dma_start3A_203] : memref<100x100xi32, #tpu.memory_space<vmem>> -> memref<1x100xi32, #tpu.memory_space<vmem>>
      %dma_start3A_205 = tpu.memref_squeeze %dma_start3A_204 : memref<1x100xi32, #tpu.memory_space<vmem>> -> memref<100xi32, #tpu.memory_space<vmem>>
      %dma_start3A_206 = arith.constant 0 : i32
      %dma_start3A_207 = arith.constant 0 : i32
      %dma_start3A_208 = tpu.memref_slice %arg9[%dma_start3A_206, %dma_start3A_207] : memref<512x128xf32, #tpu.memory_space<vmem_shared>> -> memref<512x128xf32, #tpu.memory_space<vmem_shared>>
      tpu.enqueue_indirect_dma source(%dma_start3A_202 : memref<100x128xf32, #tpu.memory_space<vmem>>) target(%dma_start3A_208 : memref<512x128xf32, #tpu.memory_space<vmem_shared>>) offsets(%dma_start3A_205 : memref<100xi32, #tpu.memory_space<vmem>>) semaphore(%arg12 : memref<!tpu.dma_semaphore, #tpu.memory_space<semaphore_mem>>) {add = true}
      %dma_wait3A_209 = arith.constant 0 : i32
      %dma_wait3A_210 = arith.constant 0 : i32
      %dma_wait3A_211 = tpu.memref_slice %arg8[%dma_wait3A_209, %dma_wait3A_210] : memref<200x128xf32, #tpu.memory_space<vmem>> -> memref<100x128xf32, #tpu.memory_space<vmem>>
      %dma_wait3A_212 = arith.constant 0 : i32
      %dma_wait3A_213 = tpu.memref_slice %arg6[%add3A_199, %dma_wait3A_212] : memref<100x100xi32, #tpu.memory_space<vmem>> -> memref<1x100xi32, #tpu.memory_space<vmem>>
      %dma_wait3A_214 = tpu.memref_squeeze %dma_wait3A_213 : memref<1x100xi32, #tpu.memory_space<vmem>> -> memref<100xi32, #tpu.memory_space<vmem>>
      %dma_wait3A_215 = arith.constant 0 : i32
      %dma_wait3A_216 = arith.constant 0 : i32
      %dma_wait3A_217 = tpu.memref_slice %arg9[%dma_wait3A_215, %dma_wait3A_216] : memref<512x128xf32, #tpu.memory_space<vmem_shared>> -> memref<512x128xf32, #tpu.memory_space<vmem_shared>>
      tpu.wait_indirect_dma semaphore(%arg12 : memref<!tpu.dma_semaphore, #tpu.memory_space<semaphore_mem>>) src(%dma_wait3A_211 : memref<100x128xf32, #tpu.memory_space<vmem>>) dst(%dma_wait3A_217 : memref<512x128xf32, #tpu.memory_space<vmem_shared>>)
      %mul3A_218 = arith.constant 2 : i32
      %mul3A_219 = arith.muli %add3A_195, %mul3A_218 : i32
      %add3A_220 = arith.constant 1 : i32
      %add3A_221 = arith.addi %mul3A_219, %add3A_220 : i32
      %dma_start3A_222 = arith.constant 100 : i32
      %dma_start3A_223 = arith.constant 0 : i32
      %dma_start3A_224 = tpu.memref_slice %arg8[%dma_start3A_222, %dma_start3A_223] : memref<200x128xf32, #tpu.memory_space<vmem>> -> memref<100x128xf32, #tpu.memory_space<vmem>>
      %dma_start3A_225 = arith.constant 0 : i32
      %dma_start3A_226 = tpu.memref_slice %arg6[%add3A_221, %dma_start3A_225] : memref<100x100xi32, #tpu.memory_space<vmem>> -> memref<1x100xi32, #tpu.memory_space<vmem>>
      %dma_start3A_227 = tpu.memref_squeeze %dma_start3A_226 : memref<1x100xi32, #tpu.memory_space<vmem>> -> memref<100xi32, #tpu.memory_space<vmem>>
      %dma_start3A_228 = arith.constant 0 : i32
      %dma_start3A_229 = arith.constant 0 : i32
      %dma_start3A_230 = tpu.memref_slice %arg9[%dma_start3A_228, %dma_start3A_229] : memref<512x128xf32, #tpu.memory_space<vmem_shared>> -> memref<512x128xf32, #tpu.memory_space<vmem_shared>>
      tpu.enqueue_indirect_dma source(%dma_start3A_224 : memref<100x128xf32, #tpu.memory_space<vmem>>) target(%dma_start3A_230 : memref<512x128xf32, #tpu.memory_space<vmem_shared>>) offsets(%dma_start3A_227 : memref<100xi32, #tpu.memory_space<vmem>>) semaphore(%arg12 : memref<!tpu.dma_semaphore, #tpu.memory_space<semaphore_mem>>) {add = true}
      %dma_wait3A_231 = arith.constant 100 : i32
      %dma_wait3A_232 = arith.constant 0 : i32
      %dma_wait3A_233 = tpu.memref_slice %arg8[%dma_wait3A_231, %dma_wait3A_232] : memref<200x128xf32, #tpu.memory_space<vmem>> -> memref<100x128xf32, #tpu.memory_space<vmem>>
      %dma_wait3A_234 = arith.constant 0 : i32
      %dma_wait3A_235 = tpu.memref_slice %arg6[%add3A_221, %dma_wait3A_234] : memref<100x100xi32, #tpu.memory_space<vmem>> -> memref<1x100xi32, #tpu.memory_space<vmem>>
      %dma_wait3A_236 = tpu.memref_squeeze %dma_wait3A_235 : memref<1x100xi32, #tpu.memory_space<vmem>> -> memref<100xi32, #tpu.memory_space<vmem>>
      %dma_wait3A_237 = arith.constant 0 : i32
      %dma_wait3A_238 = arith.constant 0 : i32
      %dma_wait3A_239 = tpu.memref_slice %arg9[%dma_wait3A_237, %dma_wait3A_238] : memref<512x128xf32, #tpu.memory_space<vmem_shared>> -> memref<512x128xf32, #tpu.memory_space<vmem_shared>>
      tpu.wait_indirect_dma semaphore(%arg12 : memref<!tpu.dma_semaphore, #tpu.memory_space<semaphore_mem>>) src(%dma_wait3A_233 : memref<100x128xf32, #tpu.memory_space<vmem>>) dst(%dma_wait3A_239 : memref<512x128xf32, #tpu.memory_space<vmem_shared>>)
    }
    %scan3A_14 = arith.constant 24 : i32
    %add3A_15 = arith.constant 9600 : i32
    %add3A_16 = arith.addi %mul3A_2, %add3A_15 : i32
    %dma_wait3A = arith.constant 0 : i32
    %dma_wait3A_17 = tpu.memref_slice %arg2[%add3A_16, %dma_wait3A] : memref<320000x128xf32, #tpu.memory_space<hbm>> -> memref<200x128xf32, #tpu.memory_space<hbm>>
    %dma_wait3A_18 = arith.constant 0 : i32
    %dma_wait3A_19 = tpu.memref_slice %arg2[%add3A_16, %dma_wait3A_18] : memref<320000x128xf32, #tpu.memory_space<hbm>> -> memref<200x128xf32, #tpu.memory_space<hbm>>
    tpu.wait_dma2 semaphore(%arg10 : memref<!tpu.dma_semaphore, #tpu.memory_space<semaphore_mem>>) src(%dma_wait3A_19 : memref<200x128xf32, #tpu.memory_space<hbm>>) dst(%arg7 : memref<200x128xf32, #tpu.memory_space<vmem>>)
    %add3A_20 = arith.constant 9800 : i32
    %add3A_21 = arith.addi %mul3A_2, %add3A_20 : i32
    %dma_start3A_22 = arith.constant 0 : i32
    %dma_start3A_23 = tpu.memref_slice %arg2[%add3A_21, %dma_start3A_22] : memref<320000x128xf32, #tpu.memory_space<hbm>> -> memref<200x128xf32, #tpu.memory_space<hbm>>
    %dma_start3A_24 = arith.constant 0 : i32
    %dma_start3A_25 = tpu.memref_slice %arg2[%add3A_21, %dma_start3A_24] : memref<320000x128xf32, #tpu.memory_space<hbm>> -> memref<200x128xf32, #tpu.memory_space<hbm>>
    tpu.enqueue_dma source(%dma_start3A_25 : memref<200x128xf32, #tpu.memory_space<hbm>>) target(%arg8 : memref<200x128xf32, #tpu.memory_space<vmem>>) target_semaphore(%arg11 : memref<!tpu.dma_semaphore, #tpu.memory_space<semaphore_mem>>)
    %dma_start3A_26 = arith.constant 96 : i32
    %dma_start3A_27 = arith.constant 0 : i32
    %dma_start3A_28 = arith.constant 0 : i32
    %dma_start3A_29 = tpu.memref_slice %arg7[%dma_start3A_27, %dma_start3A_28] : memref<200x128xf32, #tpu.memory_space<vmem>> -> memref<100x128xf32, #tpu.memory_space<vmem>>
    %dma_start3A_30 = arith.constant 0 : i32
    %dma_start3A_31 = tpu.memref_slice %arg6[%dma_start3A_26, %dma_start3A_30] : memref<100x100xi32, #tpu.memory_space<vmem>> -> memref<1x100xi32, #tpu.memory_space<vmem>>
    %dma_start3A_32 = tpu.memref_squeeze %dma_start3A_31 : memref<1x100xi32, #tpu.memory_space<vmem>> -> memref<100xi32, #tpu.memory_space<vmem>>
    %dma_start3A_33 = arith.constant 0 : i32
    %dma_start3A_34 = arith.constant 0 : i32
    %dma_start3A_35 = tpu.memref_slice %arg9[%dma_start3A_33, %dma_start3A_34] : memref<512x128xf32, #tpu.memory_space<vmem_shared>> -> memref<512x128xf32, #tpu.memory_space<vmem_shared>>
    tpu.enqueue_indirect_dma source(%dma_start3A_29 : memref<100x128xf32, #tpu.memory_space<vmem>>) target(%dma_start3A_35 : memref<512x128xf32, #tpu.memory_space<vmem_shared>>) offsets(%dma_start3A_32 : memref<100xi32, #tpu.memory_space<vmem>>) semaphore(%arg12 : memref<!tpu.dma_semaphore, #tpu.memory_space<semaphore_mem>>) {add = true}
    %dma_wait3A_36 = arith.constant 96 : i32
    %dma_wait3A_37 = arith.constant 0 : i32
    %dma_wait3A_38 = arith.constant 0 : i32
    %dma_wait3A_39 = tpu.memref_slice %arg7[%dma_wait3A_37, %dma_wait3A_38] : memref<200x128xf32, #tpu.memory_space<vmem>> -> memref<100x128xf32, #tpu.memory_space<vmem>>
    %dma_wait3A_40 = arith.constant 0 : i32
    %dma_wait3A_41 = tpu.memref_slice %arg6[%dma_wait3A_36, %dma_wait3A_40] : memref<100x100xi32, #tpu.memory_space<vmem>> -> memref<1x100xi32, #tpu.memory_space<vmem>>
    %dma_wait3A_42 = tpu.memref_squeeze %dma_wait3A_41 : memref<1x100xi32, #tpu.memory_space<vmem>> -> memref<100xi32, #tpu.memory_space<vmem>>
    %dma_wait3A_43 = arith.constant 0 : i32
    %dma_wait3A_44 = arith.constant 0 : i32
    %dma_wait3A_45 = tpu.memref_slice %arg9[%dma_wait3A_43, %dma_wait3A_44] : memref<512x128xf32, #tpu.memory_space<vmem_shared>> -> memref<512x128xf32, #tpu.memory_space<vmem_shared>>
    tpu.wait_indirect_dma semaphore(%arg12 : memref<!tpu.dma_semaphore, #tpu.memory_space<semaphore_mem>>) src(%dma_wait3A_39 : memref<100x128xf32, #tpu.memory_space<vmem>>) dst(%dma_wait3A_45 : memref<512x128xf32, #tpu.memory_space<vmem_shared>>)
    %dma_start3A_46 = arith.constant 97 : i32
    %dma_start3A_47 = arith.constant 100 : i32
    %dma_start3A_48 = arith.constant 0 : i32
    %dma_start3A_49 = tpu.memref_slice %arg7[%dma_start3A_47, %dma_start3A_48] : memref<200x128xf32, #tpu.memory_space<vmem>> -> memref<100x128xf32, #tpu.memory_space<vmem>>
    %dma_start3A_50 = arith.constant 0 : i32
    %dma_start3A_51 = tpu.memref_slice %arg6[%dma_start3A_46, %dma_start3A_50] : memref<100x100xi32, #tpu.memory_space<vmem>> -> memref<1x100xi32, #tpu.memory_space<vmem>>
    %dma_start3A_52 = tpu.memref_squeeze %dma_start3A_51 : memref<1x100xi32, #tpu.memory_space<vmem>> -> memref<100xi32, #tpu.memory_space<vmem>>
    %dma_start3A_53 = arith.constant 0 : i32
    %dma_start3A_54 = arith.constant 0 : i32
    %dma_start3A_55 = tpu.memref_slice %arg9[%dma_start3A_53, %dma_start3A_54] : memref<512x128xf32, #tpu.memory_space<vmem_shared>> -> memref<512x128xf32, #tpu.memory_space<vmem_shared>>
    tpu.enqueue_indirect_dma source(%dma_start3A_49 : memref<100x128xf32, #tpu.memory_space<vmem>>) target(%dma_start3A_55 : memref<512x128xf32, #tpu.memory_space<vmem_shared>>) offsets(%dma_start3A_52 : memref<100xi32, #tpu.memory_space<vmem>>) semaphore(%arg12 : memref<!tpu.dma_semaphore, #tpu.memory_space<semaphore_mem>>) {add = true}
    %dma_wait3A_56 = arith.constant 97 : i32
    %dma_wait3A_57 = arith.constant 100 : i32
    %dma_wait3A_58 = arith.constant 0 : i32
    %dma_wait3A_59 = tpu.memref_slice %arg7[%dma_wait3A_57, %dma_wait3A_58] : memref<200x128xf32, #tpu.memory_space<vmem>> -> memref<100x128xf32, #tpu.memory_space<vmem>>
    %dma_wait3A_60 = arith.constant 0 : i32
    %dma_wait3A_61 = tpu.memref_slice %arg6[%dma_wait3A_56, %dma_wait3A_60] : memref<100x100xi32, #tpu.memory_space<vmem>> -> memref<1x100xi32, #tpu.memory_space<vmem>>
    %dma_wait3A_62 = tpu.memref_squeeze %dma_wait3A_61 : memref<1x100xi32, #tpu.memory_space<vmem>> -> memref<100xi32, #tpu.memory_space<vmem>>
    %dma_wait3A_63 = arith.constant 0 : i32
    %dma_wait3A_64 = arith.constant 0 : i32
    %dma_wait3A_65 = tpu.memref_slice %arg9[%dma_wait3A_63, %dma_wait3A_64] : memref<512x128xf32, #tpu.memory_space<vmem_shared>> -> memref<512x128xf32, #tpu.memory_space<vmem_shared>>
    tpu.wait_indirect_dma semaphore(%arg12 : memref<!tpu.dma_semaphore, #tpu.memory_space<semaphore_mem>>) src(%dma_wait3A_59 : memref<100x128xf32, #tpu.memory_space<vmem>>) dst(%dma_wait3A_65 : memref<512x128xf32, #tpu.memory_space<vmem_shared>>)
    %add3A_66 = arith.constant 9800 : i32
    %add3A_67 = arith.addi %mul3A_2, %add3A_66 : i32
    %dma_wait3A_68 = arith.constant 0 : i32
    %dma_wait3A_69 = tpu.memref_slice %arg2[%add3A_67, %dma_wait3A_68] : memref<320000x128xf32, #tpu.memory_space<hbm>> -> memref<200x128xf32, #tpu.memory_space<hbm>>
    %dma_wait3A_70 = arith.constant 0 : i32
    %dma_wait3A_71 = tpu.memref_slice %arg2[%add3A_67, %dma_wait3A_70] : memref<320000x128xf32, #tpu.memory_space<hbm>> -> memref<200x128xf32, #tpu.memory_space<hbm>>
    tpu.wait_dma2 semaphore(%arg11 : memref<!tpu.dma_semaphore, #tpu.memory_space<semaphore_mem>>) src(%dma_wait3A_71 : memref<200x128xf32, #tpu.memory_space<hbm>>) dst(%arg8 : memref<200x128xf32, #tpu.memory_space<vmem>>)
    %dma_start3A_72 = arith.constant 98 : i32
    %dma_start3A_73 = arith.constant 0 : i32
    %dma_start3A_74 = arith.constant 0 : i32
    %dma_start3A_75 = tpu.memref_slice %arg8[%dma_start3A_73, %dma_start3A_74] : memref<200x128xf32, #tpu.memory_space<vmem>> -> memref<100x128xf32, #tpu.memory_space<vmem>>
    %dma_start3A_76 = arith.constant 0 : i32
    %dma_start3A_77 = tpu.memref_slice %arg6[%dma_start3A_72, %dma_start3A_76] : memref<100x100xi32, #tpu.memory_space<vmem>> -> memref<1x100xi32, #tpu.memory_space<vmem>>
    %dma_start3A_78 = tpu.memref_squeeze %dma_start3A_77 : memref<1x100xi32, #tpu.memory_space<vmem>> -> memref<100xi32, #tpu.memory_space<vmem>>
    %dma_start3A_79 = arith.constant 0 : i32
    %dma_start3A_80 = arith.constant 0 : i32
    %dma_start3A_81 = tpu.memref_slice %arg9[%dma_start3A_79, %dma_start3A_80] : memref<512x128xf32, #tpu.memory_space<vmem_shared>> -> memref<512x128xf32, #tpu.memory_space<vmem_shared>>
    tpu.enqueue_indirect_dma source(%dma_start3A_75 : memref<100x128xf32, #tpu.memory_space<vmem>>) target(%dma_start3A_81 : memref<512x128xf32, #tpu.memory_space<vmem_shared>>) offsets(%dma_start3A_78 : memref<100xi32, #tpu.memory_space<vmem>>) semaphore(%arg12 : memref<!tpu.dma_semaphore, #tpu.memory_space<semaphore_mem>>) {add = true}
    %dma_wait3A_82 = arith.constant 98 : i32
    %dma_wait3A_83 = arith.constant 0 : i32
    %dma_wait3A_84 = arith.constant 0 : i32
    %dma_wait3A_85 = tpu.memref_slice %arg8[%dma_wait3A_83, %dma_wait3A_84] : memref<200x128xf32, #tpu.memory_space<vmem>> -> memref<100x128xf32, #tpu.memory_space<vmem>>
    %dma_wait3A_86 = arith.constant 0 : i32
    %dma_wait3A_87 = tpu.memref_slice %arg6[%dma_wait3A_82, %dma_wait3A_86] : memref<100x100xi32, #tpu.memory_space<vmem>> -> memref<1x100xi32, #tpu.memory_space<vmem>>
    %dma_wait3A_88 = tpu.memref_squeeze %dma_wait3A_87 : memref<1x100xi32, #tpu.memory_space<vmem>> -> memref<100xi32, #tpu.memory_space<vmem>>
    %dma_wait3A_89 = arith.constant 0 : i32
    %dma_wait3A_90 = arith.constant 0 : i32
    %dma_wait3A_91 = tpu.memref_slice %arg9[%dma_wait3A_89, %dma_wait3A_90] : memref<512x128xf32, #tpu.memory_space<vmem_shared>> -> memref<512x128xf32, #tpu.memory_space<vmem_shared>>
    tpu.wait_indirect_dma semaphore(%arg12 : memref<!tpu.dma_semaphore, #tpu.memory_space<semaphore_mem>>) src(%dma_wait3A_85 : memref<100x128xf32, #tpu.memory_space<vmem>>) dst(%dma_wait3A_91 : memref<512x128xf32, #tpu.memory_space<vmem_shared>>)
    %dma_start3A_92 = arith.constant 99 : i32
    %dma_start3A_93 = arith.constant 100 : i32
    %dma_start3A_94 = arith.constant 0 : i32
    %dma_start3A_95 = tpu.memref_slice %arg8[%dma_start3A_93, %dma_start3A_94] : memref<200x128xf32, #tpu.memory_space<vmem>> -> memref<100x128xf32, #tpu.memory_space<vmem>>
    %dma_start3A_96 = arith.constant 0 : i32
    %dma_start3A_97 = tpu.memref_slice %arg6[%dma_start3A_92, %dma_start3A_96] : memref<100x100xi32, #tpu.memory_space<vmem>> -> memref<1x100xi32, #tpu.memory_space<vmem>>
    %dma_start3A_98 = tpu.memref_squeeze %dma_start3A_97 : memref<1x100xi32, #tpu.memory_space<vmem>> -> memref<100xi32, #tpu.memory_space<vmem>>
    %dma_start3A_99 = arith.constant 0 : i32
    %dma_start3A_100 = arith.constant 0 : i32
    %dma_start3A_101 = tpu.memref_slice %arg9[%dma_start3A_99, %dma_start3A_100] : memref<512x128xf32, #tpu.memory_space<vmem_shared>> -> memref<512x128xf32, #tpu.memory_space<vmem_shared>>
    tpu.enqueue_indirect_dma source(%dma_start3A_95 : memref<100x128xf32, #tpu.memory_space<vmem>>) target(%dma_start3A_101 : memref<512x128xf32, #tpu.memory_space<vmem_shared>>) offsets(%dma_start3A_98 : memref<100xi32, #tpu.memory_space<vmem>>) semaphore(%arg12 : memref<!tpu.dma_semaphore, #tpu.memory_space<semaphore_mem>>) {add = true}
    %dma_wait3A_102 = arith.constant 99 : i32
    %dma_wait3A_103 = arith.constant 100 : i32
    %dma_wait3A_104 = arith.constant 0 : i32
    %dma_wait3A_105 = tpu.memref_slice %arg8[%dma_wait3A_103, %dma_wait3A_104] : memref<200x128xf32, #tpu.memory_space<vmem>> -> memref<100x128xf32, #tpu.memory_space<vmem>>
    %dma_wait3A_106 = arith.constant 0 : i32
    %dma_wait3A_107 = tpu.memref_slice %arg6[%dma_wait3A_102, %dma_wait3A_106] : memref<100x100xi32, #tpu.memory_space<vmem>> -> memref<1x100xi32, #tpu.memory_space<vmem>>
    %dma_wait3A_108 = tpu.memref_squeeze %dma_wait3A_107 : memref<1x100xi32, #tpu.memory_space<vmem>> -> memref<100xi32, #tpu.memory_space<vmem>>
    %dma_wait3A_109 = arith.constant 0 : i32
    %dma_wait3A_110 = arith.constant 0 : i32
    %dma_wait3A_111 = tpu.memref_slice %arg9[%dma_wait3A_109, %dma_wait3A_110] : memref<512x128xf32, #tpu.memory_space<vmem_shared>> -> memref<512x128xf32, #tpu.memory_space<vmem_shared>>
    tpu.wait_indirect_dma semaphore(%arg12 : memref<!tpu.dma_semaphore, #tpu.memory_space<semaphore_mem>>) src(%dma_wait3A_105 : memref<100x128xf32, #tpu.memory_space<vmem>>) dst(%dma_wait3A_111 : memref<512x128xf32, #tpu.memory_space<vmem_shared>>)
    %barrier3A_112 = arith.constant 0 : index
    tpu.barrier barrier_id(%barrier3A_112)
    "tpu.region"() ({
      %run_scoped3A = tpu.sem_alloc : memref<!tpu.dma_semaphore, #tpu.memory_space<semaphore_mem>>
      %dma_start3A_113 = arith.constant 0 : i32
      %dma_start3A_114 = tpu.memref_slice %arg5[%arg0, %mul3A_4, %dma_start3A_113] : memref<2x512x128xf32, #tpu.memory_space<hbm>> -> memref<1x32x128xf32, #tpu.memory_space<hbm>>
      %dma_start3A_115 = tpu.memref_squeeze %dma_start3A_114 : memref<1x32x128xf32, #tpu.memory_space<hbm>> -> memref<32x128xf32, #tpu.memory_space<hbm>>
      %dma_start3A_116 = arith.constant 0 : i32
      %dma_start3A_117 = tpu.memref_slice %arg9[%mul3A_4, %dma_start3A_116] : memref<512x128xf32, #tpu.memory_space<vmem_shared>> -> memref<32x128xf32, #tpu.memory_space<vmem_shared>>
      tpu.enqueue_dma source(%dma_start3A_117 : memref<32x128xf32, #tpu.memory_space<vmem_shared>>) target(%dma_start3A_115 : memref<32x128xf32, #tpu.memory_space<hbm>>) target_semaphore(%run_scoped3A : memref<!tpu.dma_semaphore, #tpu.memory_space<semaphore_mem>>)
      %dma_wait3A_118 = arith.constant 0 : i32
      %dma_wait3A_119 = tpu.memref_slice %arg5[%arg0, %mul3A_4, %dma_wait3A_118] : memref<2x512x128xf32, #tpu.memory_space<hbm>> -> memref<1x32x128xf32, #tpu.memory_space<hbm>>
      %dma_wait3A_120 = tpu.memref_squeeze %dma_wait3A_119 : memref<1x32x128xf32, #tpu.memory_space<hbm>> -> memref<32x128xf32, #tpu.memory_space<hbm>>
      %dma_wait3A_121 = arith.constant 0 : i32
      %dma_wait3A_122 = tpu.memref_slice %arg9[%mul3A_4, %dma_wait3A_121] : memref<512x128xf32, #tpu.memory_space<vmem_shared>> -> memref<32x128xf32, #tpu.memory_space<vmem_shared>>
      tpu.wait_dma2 semaphore(%run_scoped3A : memref<!tpu.dma_semaphore, #tpu.memory_space<semaphore_mem>>) src(%dma_wait3A_122 : memref<32x128xf32, #tpu.memory_space<vmem_shared>>) dst(%dma_wait3A_120 : memref<32x128xf32, #tpu.memory_space<hbm>>)
      tpu.yield
    }) : () -> ()
    return
  }
}

module attributes {stable_mosaic.version = 14 : i64} {
  func.func @_hist_body(%arg0: i32, %arg1: memref<16000x1xi32, #tpu.memory_space<vmem>>, %arg2: memref<8x128xf32, #tpu.memory_space<vmem>>) attributes {dimension_semantics = [#tpu.dimension_semantics<arbitrary>], iteration_bounds = array<i64: 20>, scalar_prefetch = 0 : i64, scratch_operands = 0 : i64, tpu.core_type = #tpu.core_type<tc>, window_params = [{transform_indices = @transform_0, window_bounds = array<i64: 16000, 1>}, {pipeline_mode = #tpu.pipeline_mode<synchronous>, transform_indices = @transform_1, window_bounds = array<i64: 8, 128>}]} {
    %get3A = arith.constant 0 : index
    %get3A_0 = arith.constant 0 : index
    %get3A_1 = vector.load %arg1[%get3A, %get3A_0] : memref<16000x1xi32, #tpu.memory_space<vmem>>, vector<16000x1xi32>
    %shift_right_logical3A = arith.constant 7 : i32
    %shift_right_logical3A_2 = vector.broadcast %shift_right_logical3A : i32 to vector<16000x1xi32>
    %shift_right_logical3A_3 = arith.shrui %get3A_1, %shift_right_logical3A_2 : vector<16000x1xi32>
    %and3A = arith.constant 127 : i32
    %and3A_4 = vector.broadcast %and3A : i32 to vector<16000x1xi32>
    %and3A_5 = arith.andi %get3A_1, %and3A_4 : vector<16000x1xi32>
    %iota3A = tpu.iota {dimensions = array<i32: 1>} : vector<16000x4xi32>
    %eq3A = vector.broadcast %shift_right_logical3A_3 : vector<16000x1xi32> to vector<16000x4xi32>
    %eq3A_6 = arith.cmpi eq, %eq3A, %iota3A : vector<16000x4xi32>
    %convert_element_type3A = arith.extui %eq3A_6 : vector<16000x4xi1> to vector<16000x4xi32>
    %convert_element_type3A_7 = arith.sitofp %convert_element_type3A : vector<16000x4xi32> to vector<16000x4xf32>
    %convert_element_type3A_8 = arith.truncf %convert_element_type3A_7 : vector<16000x4xf32> to vector<16000x4xbf16>
    %iota3A_9 = tpu.iota {dimensions = array<i32: 1>} : vector<16000x128xi32>
    %eq3A_10 = vector.broadcast %and3A_5 : vector<16000x1xi32> to vector<16000x128xi32>
    %eq3A_11 = arith.cmpi eq, %eq3A_10, %iota3A_9 : vector<16000x128xi32>
    %convert_element_type3A_12 = arith.extui %eq3A_11 : vector<16000x128xi1> to vector<16000x128xi32>
    %convert_element_type3A_13 = arith.sitofp %convert_element_type3A_12 : vector<16000x128xi32> to vector<16000x128xf32>
    %convert_element_type3A_14 = arith.truncf %convert_element_type3A_13 : vector<16000x128xf32> to vector<16000x128xbf16>
    %dot_general3A = arith.constant dense<0.000000e+00> : vector<4x128xf32>
    %dot_general3A_15 = tpu.matmul %convert_element_type3A_8, %convert_element_type3A_14, %dot_general3A {dimension_numbers = #tpu.dot_dimension_numbers<[0], [0], [1], [1], [0, 1, 1, 1], [], []>, transpose_lhs_hint = false} : vector<16000x4xbf16>, vector<16000x128xbf16>, vector<4x128xf32> -> vector<4x128xf32>
    %broadcast_in_dim3A = arith.constant 0.000000e+00 : f32
    %broadcast_in_dim3A_16 = vector.broadcast %broadcast_in_dim3A : f32 to vector<4x128xf32>
    %concatenate3A = tpu.concatenate %dot_general3A_15, %broadcast_in_dim3A_16 in 0 : vector<4x128xf32>, vector<4x128xf32> -> vector<8x128xf32>
    %eq3A_17 = arith.constant 0 : i32
    %eq3A_18 = arith.cmpi eq, %arg0, %eq3A_17 : i32
    %convert_element_type3A_19 = arith.extui %eq3A_18 : i1 to i32
    %cond3A = arith.constant 0 : i32
    %cond3A_20 = arith.cmpi ne, %convert_element_type3A_19, %cond3A : i32
    scf.if %cond3A_20 {
      %broadcast_in_dim3A_26 = arith.constant 0.000000e+00 : f32
      %broadcast_in_dim3A_27 = vector.broadcast %broadcast_in_dim3A_26 : f32 to vector<8x128xf32>
      %swap3A_28 = arith.constant 0 : index
      %swap3A_29 = arith.constant 0 : index
      %swap3A_30 = vector.load %arg2[%swap3A_28, %swap3A_29] : memref<8x128xf32, #tpu.memory_space<vmem>>, vector<8x128xf32>
      tpu.vector_store %arg2[%swap3A_28, %swap3A_29], %broadcast_in_dim3A_27 {strides = array<i32>} : memref<8x128xf32, #tpu.memory_space<vmem>>, vector<8x128xf32>,
    } else {
    }
    %get3A_21 = arith.constant 0 : index
    %get3A_22 = arith.constant 0 : index
    %get3A_23 = vector.load %arg2[%get3A_21, %get3A_22] : memref<8x128xf32, #tpu.memory_space<vmem>>, vector<8x128xf32>
    %add3A = arith.addf %get3A_23, %concatenate3A : vector<8x128xf32>
    %swap3A = arith.constant 0 : index
    %swap3A_24 = arith.constant 0 : index
    %swap3A_25 = vector.load %arg2[%swap3A, %swap3A_24] : memref<8x128xf32, #tpu.memory_space<vmem>>, vector<8x128xf32>
    tpu.vector_store %arg2[%swap3A, %swap3A_24], %add3A {strides = array<i32>} : memref<8x128xf32, #tpu.memory_space<vmem>>, vector<8x128xf32>,
    return
  }
  func.func @transform_0(%arg0: i32) -> (i32, i32) {
    %c0_i32 = arith.constant 0 : i32
    %c0_i32_0 = arith.constant 0 : i32
    return %arg0, %c0_i32 : i32, i32
  }
  func.func @transform_1(%arg0: i32) -> (i32, i32) {
    %c0_i32 = arith.constant 0 : i32
    %c0_i32_0 = arith.constant 0 : i32
    %c0_i32_1 = arith.constant 0 : i32
    return %c0_i32, %c0_i32_0 : i32, i32
  }
}

module attributes {stable_mosaic.version = 14 : i64} {
  func.func @_finalize_body(%arg0: memref<2x512x128xf32, #tpu.memory_space<vmem>>, %arg1: memref<512x1xf32, #tpu.memory_space<vmem>>, %arg2: memref<512x128xf32, #tpu.memory_space<vmem>>) attributes {dimension_semantics = [], scalar_prefetch = 0 : i64, scratch_operands = 0 : i64, tpu.core_type = #tpu.core_type<tc>} {
    %get3A = arith.constant 0 : index
    %get3A_0 = arith.constant 0 : index
    %get3A_1 = arith.constant 0 : index
    %get3A_2 = vector.load %arg0[%get3A, %get3A_0, %get3A_1] : memref<2x512x128xf32, #tpu.memory_space<vmem>>, vector<1x512x128xf32>
    %get3A_3 = vector.shape_cast %get3A_2 : vector<1x512x128xf32> to vector<512x128xf32>
    %get3A_4 = arith.constant 1 : index
    %get3A_5 = arith.constant 0 : index
    %get3A_6 = arith.constant 0 : index
    %get3A_7 = vector.load %arg0[%get3A_4, %get3A_5, %get3A_6] : memref<2x512x128xf32, #tpu.memory_space<vmem>>, vector<1x512x128xf32>
    %get3A_8 = vector.shape_cast %get3A_7 : vector<1x512x128xf32> to vector<512x128xf32>
    %add3A = arith.addf %get3A_3, %get3A_8 : vector<512x128xf32>
    %get3A_9 = arith.constant 0 : index
    %get3A_10 = arith.constant 0 : index
    %get3A_11 = vector.load %arg1[%get3A_9, %get3A_10] : memref<512x1xf32, #tpu.memory_space<vmem>>, vector<512x1xf32>
    %max3A = arith.constant 1.000000e+00 : f32
    %max3A_12 = vector.broadcast %max3A : f32 to vector<512x1xf32>
    %max3A_13 = arith.maximumf %get3A_11, %max3A_12 : vector<512x1xf32>
    %div3A = vector.broadcast %max3A_13 : vector<512x1xf32> to vector<512x128xf32>
    %div3A_14 = arith.divf %add3A, %div3A : vector<512x128xf32>
    %swap3A = arith.constant 0 : index
    %swap3A_15 = arith.constant 0 : index
    %swap3A_16 = vector.load %arg2[%swap3A, %swap3A_15] : memref<512x128xf32, #tpu.memory_space<vmem>>, vector<512x128xf32>
    tpu.vector_store %arg2[%swap3A, %swap3A_15], %div3A_14 {strides = array<i32>} : memref<512x128xf32, #tpu.memory_space<vmem>>, vector<512x128xf32>,
    return
  }
}

</mosaic_0001>

<sc_bundles>
// kernel: kernel.5.cloned.1.call-start
scs
__scs_entry_jumppad:
0x0: {  	(pc) =	sbr.rel $0x88, $3  }
0x1: {  	(tag) =	ssettag $0x0;
	lr =	simm.s32 $0x1  }
0x2: {  	[smem:$0x3F9F] =	sst lr;
	_ =	strace $0xD0000000  }
0x3: {  	_ = 	snop  }
0x4: {  	_ = 	snop  }
0x5: {  	_ = 	snop  }
0x6: {  	_ = 	snop  }
0x7: {  	_ = 	snop  }
__scs_overlays_trampoline_lowered:
0x8: {  	[smem:$0x3FAE] =	sst s0  }
0x9: {  	[smem:$0x3FAF] =	sst s1  }
0xa: {  	[smem:$0x3FB0] =	sst s2  }
0xb: {  	[smem:$0x3FB1] =	sst s3  }
0xc: {  	[smem:$0x3FB2] =	sst s4  }
0xd: {  	[smem:$0x3FB3] =	sst s5  }
0xe: {  	[smem:$0x3FB4] =	sst s6  }
0xf: {  	[smem:$0x3FB5] =	sst s7  }
0x10: {  	[smem:$0x3FB6] =	sst s8  }
0x11: {  	[smem:$0x3FB7] =	sst s9;
	s0 =	simm.s32 @!p0 $0x0  }
0x12: {  	s1 =	sld [smem:$0x3F9D];
	s0 =	simm.s32 @p0 $0x1  }
0x13: {  	[smem:$0x3FB8] =	sst s0;
	s0 =	simm.s32 @!p1 $0x0  }
0x14: {  	s2 =	sld [smem:$0x3F9C];
	s0 =	simm.s32 @p1 $0x1  }
0x15: {  	[smem:$0x3FB9] =	sst s0;
	s0 =	simm.s32 @!p2 $0x0  }
0x16: {  	s3 =	sld [smem:$0x3FDB];
	s0 =	simm.s32 @p2 $0x1  }
0x17: {  	s4 =	simm.s32 $0x1BF5;
	[smem:$0x3FBB] =	sst s0  }
0x18: {  	s0 =	sld [smem:$0x3F9E];
	_ =	swait.ge [sflag:s4], $0x0  }
0x19: {  	s7 =	sld [smem:$0x3F9F]  }
0x1a: {  	s8 =	sadd.s32 $0xFFFFE003, lr  }
0x1b: {  	s9 =	sadd.s32 $0xFFFFFEF7, lr;
	s5 =	simm.s32 $0xFFFFFFFF;
	p2 =	slt.u32 s8, $0xFFFFF086  }
0x1c: {  	p1 =	slt.u32 s9, $0xF7A;
	s5 =	simm.s32 @!p2 $0x0  }
0x1d: {  	s5 =	simm.s32 @p1 $0x1;
	p0 =	seq.s32 s7, s2  }
0x1e: {  	s7 =	smul.u32 @!p0 $0xF7A, s2;
	p2 =	seq.s32 @!p0 s5, $0x0  }
0x1f: {  	s9 =	smul.u32 $0xF7A, s1;
	s8 =	simm.s32 @!p0 $0x1BF5;
	p2 =	por !p2, p0  }
0x20: {  	[sflag:s8] =	ssyncset.s32 @!p0 $0xFFFFF086;
	s6 =	sadd.s32 @!p0 s3, s7;
	s7 =	simm.s32 @!p0 $0x108  }
0x21: {  	s3 =	sadd.s32 s3, s9;
	s6 =	sadd.s32 @!p0 $0x88, s6;
	s7 =	simm.s32 @p2 $0x1082  }
0x22: {  	[simem:s7], [sflag:s8] =	dma.local @!p0 [hbm:s6], $0xF7A  }
0x23: {  	s9 =	sor.u32 $0xD0000000, s2;
	s6 =	simm.s32 $0x108;
	_ =	swait.ge @!p0 [sflag:s8], $0x0  }
0x24: {  	s3 =	sadd.s32 $0x88, s3;
	s6 =	simm.s32 @!p1 $0x1082;
	[sflag:s4] =	ssyncset.s32 $0xFFFFF086  }
0x25: {  	[simem:s6], [sflag:s4] =	dma.local [hbm:s3], $0xF7A  }
0x26: {  	[smem:$0x3F9F] =	sst s1;
	(tag) =	ssettag s2;
	_ =	strace s9  }
0x27: {  	s1 =	sld [smem:$0x3FAF]  }
0x28: {  	s2 =	sld [smem:$0x3FB0]  }
0x29: {  	s4 =	sld [smem:$0x3FB2]  }
0x2a: {  	p0 =	seq.s32 s5, $0x0;
	s5 =	sld [smem:$0x3FB3]  }
0x2b: {  	s6 =	sld [smem:$0x3FB4]  }
0x2c: {  	s7 =	sld [smem:$0x3FB5]  }
0x2d: {  	s3 =	simm.s32 $0x108;
	s8 =	sld [smem:$0x3FB6]  }
0x2e: {  	s3 =	simm.s32 @!p0 $0x1082;
	s9 =	sld [smem:$0x3FB7]  }
0x2f: {  	lr =	sadd.s32 s0, s3;
	s0 =	sld [smem:$0x3FAE]  }
0x30: {  	s3 =	sld [smem:$0x3FB1]  }
0x31: {  	[smem:$0x3FBA] =	sst s10  }
0x32: {  	s10 =	sld [smem:$0x3FB8];
	_ =	sdelay $0x3  }
0x33: {  	p0 =	seq.s32 s10, $0x1;
	s10 =	sld [smem:$0x3FBA];
	_ =	sdelay $0x3  }
0x34: {  	[smem:$0x3FBA] =	sst s10  }
0x35: {  	s10 =	sld [smem:$0x3FB9];
	_ =	sdelay $0x3  }
0x36: {  	p1 =	seq.s32 s10, $0x1;
	s10 =	sld [smem:$0x3FBA];
	_ =	sdelay $0x3  }
0x37: {  	[smem:$0x3FBA] =	sst s10  }
0x38: {  	s10 =	sld [smem:$0x3FBB]  }
0x39: {  	_ = 	snop;
	(pc) =	sbr.ind lr, $3  }
0x3a: {  	_ = 	snop  }
0x3b: {  	_ = 	snop  }
0x3c: {  	p2 =	seq.s32 s10, $0x1;
	s10 =	sld [smem:$0x3FBA]  }
0x3d: {  	_ =	shalt  }
0x3e: {  	_ =	shalt  }
0x3f: {  	_ =	shalt  }
0x40: {  	_ =	shalt  }
0x41: {  	_ =	shalt  }
0x42: {  	_ =	shalt  }
0x43: {  	_ =	shalt  }
0x44: {  	_ =	shalt  }
0x45: {  	_ =	shalt  }
0x46: {  	_ =	shalt  }
0x47: {  	_ =	shalt  }
0x48: {  	_ =	shalt  }
0x49: {  	_ =	shalt  }
0x4a: {  	_ =	shalt  }
0x4b: {  	_ =	shalt  }
0x4c: {  	_ =	shalt  }
0x4d: {  	_ =	shalt  }
0x4e: {  	_ =	shalt  }
0x4f: {  	_ =	shalt  }
0x50: {  	_ =	shalt  }
0x51: {  	_ =	shalt  }
0x52: {  	_ =	shalt  }
0x53: {  	_ =	shalt  }
0x54: {  	_ =	shalt  }
0x55: {  	_ =	shalt  }
0x56: {  	_ =	shalt  }
0x57: {  	_ =	shalt  }
0x58: {  	_ =	shalt  }
0x59: {  	_ =	shalt  }
0x5a: {  	_ =	shalt  }
0x5b: {  	_ =	shalt  }
0x5c: {  	_ =	shalt  }
0x5d: {  	_ =	shalt  }
0x5e: {  	_ =	shalt  }
0x5f: {  	_ =	shalt  }
0x60: {  	_ =	shalt  }
0x61: {  	_ =	shalt  }
0x62: {  	_ =	shalt  }
0x63: {  	_ =	shalt  }
0x64: {  	_ =	shalt  }
0x65: {  	_ =	shalt  }
0x66: {  	_ =	shalt  }
0x67: {  	_ =	shalt  }
0x68: {  	_ =	shalt  }
0x69: {  	_ =	shalt  }
0x6a: {  	_ =	shalt  }
0x6b: {  	_ =	shalt  }
0x6c: {  	_ =	shalt  }
0x6d: {  	_ =	shalt  }
0x6e: {  	_ =	shalt  }
0x6f: {  	_ =	shalt  }
0x70: {  	_ =	shalt  }
0x71: {  	_ =	shalt  }
0x72: {  	_ =	shalt  }
0x73: {  	_ =	shalt  }
0x74: {  	_ =	shalt  }
0x75: {  	_ =	shalt  }
0x76: {  	_ =	shalt  }
0x77: {  	_ =	shalt  }
0x78: {  	_ =	shalt  }
0x79: {  	_ =	shalt  }
0x7a: {  	_ =	shalt  }
0x7b: {  	_ =	shalt  }
0x7c: {  	_ =	shalt  }
0x7d: {  	_ =	shalt  }
0x7e: {  	_ =	shalt  }
0x7f: {  	_ =	shalt  }
0x80: {  	_ =	shalt  }
0x81: {  	_ =	shalt  }
0x82: {  	_ =	shalt  }
0x83: {  	_ =	shalt  }
0x84: {  	_ =	shalt  }
0x85: {  	_ =	shalt  }
0x86: {  	_ =	shalt  }
0x87: {  	_ =	shalt  }
.Lfunc_end0:
.L_simem_size_0:
called_computation_lowered:
.L_overlay_start_0:
0x88: {  	s2 =	sld [smem:$0x3FD9]  }
0x89: {  	s3 =	sld [smem:$0x3FFE];
	_ =	sdelay $0x1  }
0x8a: {  	s1 =	srdreg.scid  }
0x8b: {  	s0 =	sand.u32 $0x1, s1  }
0x8c: {  	s17 =	sshll.u32 s0, $0xA;
	s2 =	sadd.s32 s3, s2  }
0x8d: {  	s2 =	sadd.s32 s2, s17  }
0x8e: {  	[smem:$0x3FC6] =	sst s2  }
0x8f: {  	_ = 	snop  }
0x90: {  	s2 =	sld [smem:$0x3FC9]  }
0x91: {  	s18 =	sld [smem:$0x3FD0];
	(tm) =	ssettm $0x1  }
0x92: {  	s4 =	sld [smem:$0x3FFB];
	_ =	sdelay $0x3  }
0x93: {  	_ =	strace s4  }
0x94: {  	s4 =	sld [smem:$0x3FFC];
	_ =	sdelay $0x3  }
0x95: {  	_ =	strace s4  }
0x96: {  	s4 =	sld [smem:$0x3FFD];
	_ =	sdelay $0x3  }
0x97: {  	_ =	strace s4  }
0x98: {  	_ =	strace $0x8FFFFFFF  }
0x99: {  	s19 =	sld [smem:$0x3FDB];
	_ =	sdelay $0x1  }
0x9a: {  	s5 =	simm.s32 $_scs_section_size  }
0x9b: {  	s6 =	simm.s32 $_size__tile_overlayer_lowered;
	s7 =	simm.s32 $_tile_overlayer_lowered  }
0x9c: {  	s22 =	simm.s32 $0x1BFF;
	s21 =	sshll.u32 s7, $0x1;
	s4 =	sadd.s32 s5, s19  }
0x9d: {  	s8 =	simm.s32 $0x0;
	s20 =	sshll.u32 s6, $0x1;
	s6 =	sadd.s32 s21, s4  }
0x9e: {  	[timem:s8], [sflag:s22] =	dma.local [hbm:s6], s20  }
0x9f: {  	_ =	swait.ge [sflag:s22], s20  }
0xa0: {  	s5 =	ssub.s32 $0x0, s20;
	[sflag:s22] =	ssyncset.done $0x0  }
0xa1: {  	[sflag:s22] =	ssyncadd.s32 s5;
	_ =	sdelay $0x1  }
0xa2: {  	s23 =	simm.s32 $0x1B8B  }
0xa3: {  	_ =	swait.ge [sflag:s23], $0x1  }
0xa4: {  	[sflag:s23] =	ssyncset.done $0x0  }
0xa5: {  	s25 =	simm.s32 $0x1B8E;
	s24 =	sld [smem:$0x3FFE];
	[sflag:s23] =	ssyncadd.s32 $0xFFFFFFFF  }
0xa6: {  	s26 =	simm.s32 $execute0_lowered;
	[smem:$0x3FD2] =	sst s25  }
0xa7: {  	s6 =	sshll.u32 s26, $0x1;
	_ =	strace $0x80000046;
	[dreg:$0x1] =	wrdreg $0xFFFFFFFF  }
0xa8: {  	s28 =	simm.s32 $_size_execute0_lowered;
	s4 =	sadd.s32 s4, s6;
	[dreg:$0x0] =	wrdreg $0x0  }
0xa9: {  	s6 =	sshll.u32 s28, $0x1;
	[dreg:$0x2] =	wrdreg s4  }
0xaa: {  	[dreg:$0x3] =	wrdreg s6  }
0xab: {  	[dreg:$0x4] =	wrdreg $0xC0  }
0xac: {  	_ =	task [dreg:s8], $0x5FFFF  }
0xad: {  	[dreg:$0x1] =	wrdreg $0xFFFFFFFF  }
0xae: {  	[dreg:$0x0] =	wrdreg $0x60  }
0xaf: {  	[dreg:$0x2] =	wrdreg s2  }
0xb0: {  	[dreg:$0x3] =	wrdreg s24  }
0xb1: {  	[dreg:$0x4] =	wrdreg s18  }
0xb2: {  	[dreg:$0x5] =	wrdreg $0xFC000  }
0xb3: {  	[dreg:$0x6] =	wrdreg $0x9  }
0xb4: {  	_ =	task.clear_ibuf [dreg:s8], $0x7FFFF;
	_ =	strace $0x90000046  }
0xb5: {  	s29 =	simm.s32 $0x9;
	_ =	strace $0x80000048  }
0xb6: {  	_ =	swait.ge [sflag:s29], $0x1  }
0xb7: {  	[sflag:s29] =	ssyncadd.s32 $0xFFFFFFFF  }
0xb8: {  	_ =	strace $0x90000048  }
0xb9: {  	_ =	sfence  }
0xba: {  	s30 =	sld [smem:$0x0];
	_ =	sdelay $0x2  }
0xbb: {  	s31 =	sshll.u32 s1, $0xD;
	s1 =	sshrl.u32 s1, $0x2  }
0xbc: {  	s3 =	sand.u32 $0x4000, s31;
	s1 =	sadd.s32 s1, s30  }
0xbd: {  	s0 =	sor.u32 s3, s0;
	s1 =	sshll.u32 s1, $0x11  }
0xbe: {  	s0 =	sor.u32 s1, s0  }
0xbf: {  	s0 =	sadd.s32 $0x8F2B, s0  }
0xc0: {  	[sflag:s0] =	ssyncadd.remote.s32 $0x1  }
0xc1: {  	_ =	sfence.sel $0xFFFF  }
0xc2: {  	[dreg:$0x0] =	wrdreg $0xFFFFFFFF;
	(pc) =	sbr.abs _section_cstart, $3  }
0xc3: {  	[dreg:$0x1] =	wrdreg $0xFFFFFFFF  }
0xc4: {  	_ =	task.clear_ibuf [dreg:s8], $0x2FFFF;
	_ =	strace $0x9FFFFFFF  }
0xc5: {  	(tm) =	ssettm $0x7FFFFFFF  }
tec
execute0_lowered:
.L_overlay_start_1:
0x0: {  	(tag) =	ssettag $0x1  }
0x1: {  	s8 =	rddreg [dreg:$0x0]  }
0x2: {  	s4 =	rddreg [dreg:$0x1]  }
0x3: {  	s5 =	rddreg [dreg:$0x2]  }
0x4: {  	s0 =	srdreg.scid;
	s2 =	rddreg [dreg:$0x3]  }
0x5: {  	s1 =	stileid.u32;
	s3 =	simm.s32 $0x0;
	s16 =	simm.s32 $0x9800  }
0x6: {  	s17 =	simm.s32 $0x64;
	s18 =	simm.s32 $0x3;
	s19 =	simm.s32 $0x6600  }
0x7: {  	s20 =	simm.s32 $0x2;
	s21 =	simm.s32 $0xCA00;
	s22 =	simm.s32 $0x3000  }
0x8: {  	s23 =	simm.s32 $0x3080;
	s7 =	sand.u32 $0x1, s0;
	s0 =	rddreg [dreg:$0x4]  }
0x9: {  	[smem:$0x7FF] =	sst s3;
	s10 =	sshll.u32 s1, $0x9;
	s14 =	sshll.u32 s1, $0xC  }
0xa: {  	s29 =	smul.u32 $0x27100, s1;
	s31 =	sshll.u32 s1, $0x6;
	s6 =	sshll.u32 s7, $0x4  }
0xb: {  	_ =	strace $0x80000047;
	s11 =	ssub.s32 $0x2, s7;
	s12 =	sadd.s32 s10, s4  }
0xc: {  	s14 =	sadd.s32 s14, s2;
	s26 =	smul.u32 $0x271000, s7;
	s6 =	sor.u32 s1, s6  }
0xd: {  	s5 =	sadd.s32 s5, s10;
	s28 =	sshll.u32 s7, $0xD;
	s9 =	smul.u32 $0x680, s6  }
0xe: {  	s24 =	sshrl.u32 s11, $0x1;
	s30 =	sadd.s32 s28, s12;
	s13 =	smul.u32 $0x27100, s6  }
0xf: {  	s12 =	sor.u32 $0x1C04, s31;
	s11 =	ssub.s32 s11, s24;
	s15 =	smul.u32 $0x138800, s6  }
0x10: {  	s10 =	sadd.s32 s26, s8;
	s24 =	simm.s32 $0x3100;
	s26 =	simm.s32 $0x0  }
0x11: {  	s10 =	sadd.s32 s29, s10;
	s9 =	sadd.s32 s9, s4;
	s6 =	sadd.s32 s8, s13  }
0x12: {  	s25 =	sshrl.u32 s15, $0x3;
	s10 =	sadd.s32 $0x1900, s10;
	s13 =	sshrl.u32 s14, $0x3  }
0x13: {  	s14 =	simm.s32 $0x3400;
	s15 =	simm.s32 $0x1;
	s4 =	sadd.s32 $0x800, s9  }
0x14: {  	s9 =	sadd.s32 s8, s25;
	s8 =	sadd.s32 $0xD800, s30;
	s25 =	simm.s32 $0x3180  }
0x15: {  	s7 =	sadd.s32 $0x26480, s9;
	s9 =	smax.u32 s11, $0x1;
	s11 =	simm.s32 $0x4  }
.LBB2_1:
0x16: {  	[tilespmem:s3], [sflag:$0x4] =	stream.linear.gather [hbm4b:s4+s3], $0x3200, $0x38;
	[tilespmem:$0x10C00] =	vst v63  }
0x17: {  	_ =	swait.ge [sflag:s11], $0x3200  }
0x18: {  	[sflag:s11] =	ssyncset.done $0x0  }
0x19: {  	[sflag:s11] =	ssyncadd.s32 $0xFFFFCE00  }
0x1a: {  	[spmem:s13], [sflag:s12] =	dma.local [hbm:s5], $0x200  }
0x1b: {  	_ =	swait.ge [sflag:s11], $0x200  }
0x1c: {  	[sflag:s11] =	ssyncset.done $0x0  }
0x1d: {  	[sflag:s11] =	ssyncadd.s32 $0xFFFFFE00  }
0x1e: {  	[bflag:$0x0] =	sbarrier.arrive $0xFFFF  }
0x1f: {  	[tilespmem:s14], [sflag:$0x1] =	stream.linear.gather [hbm4b:s6+s3], $0x6400, $0x38;
	[tilespmem:$0x10C00] =	vst v63  }
0x20: {  	_ =	swait.ge [sflag:s15], $0x6400  }
0x21: {  	[sflag:s15] =	ssyncset.done $0x0  }
0x22: {  	s28 =	sadd.s32 $0xFFFFF380, s10;
	[sflag:s15] =	ssyncadd.s32 $0xFFFF9C00  }
0x23: {  	[tilespmem:s16], [sflag:$0x2] =	stream.linear.gather [hbm4b:s28+s3], $0x6400, $0x38;
	[tilespmem:$0x10C00] =	vst v63  }
0x24: {  	s28 =	simm.s32 $0x0  }
0x25: {  	[spmem:s2] =	stream.indirect.scatter.add.f32 [tilespmem:s14], [sflag:$0x3], $0x80, s28, s17, $0xb8;
	[tilespmem:$0x10C00] =	vst v63  }
0x26: {  	_ =	swait.ge [sflag:s18], $0x3200  }
0x27: {  	[sflag:s18] =	ssyncset.done $0x0  }
0x28: {  	s28 =	simm.s32 $0x80;
	[sflag:s18] =	ssyncadd.s32 $0xFFFFCE00  }
0x29: {  	[spmem:s2] =	stream.indirect.scatter.add.f32 [tilespmem:s19], [sflag:$0x3], $0x80, s28, s17, $0xb8;
	[tilespmem:$0x10C00] =	vst v63  }
0x2a: {  	_ =	swait.ge [sflag:s18], $0x3200  }
0x2b: {  	[sflag:s18] =	ssyncset.done $0x0  }
0x2c: {  	[sflag:s18] =	ssyncadd.s32 $0xFFFFCE00  }
0x2d: {  	_ =	swait.ge [sflag:s20], $0x6400  }
0x2e: {  	[sflag:s20] =	ssyncset.done $0x0  }
0x2f: {  	[sflag:s20] =	ssyncadd.s32 $0xFFFF9C00  }
0x30: {  	[tilespmem:s14], [sflag:$0x1] =	stream.linear.gather [hbm4b:s10+s3], $0x6400, $0x38;
	[tilespmem:$0x10C00] =	vst v63  }
0x31: {  	s28 =	simm.s32 $0x100  }
0x32: {  	[spmem:s2] =	stream.indirect.scatter.add.f32 [tilespmem:s16], [sflag:$0x3], $0x80, s28, s17, $0xb8;
	[tilespmem:$0x10C00] =	vst v63  }
0x33: {  	_ =	swait.ge [sflag:s18], $0x3200  }
0x34: {  	[sflag:s18] =	ssyncset.done $0x0  }
0x35: {  	s28 =	simm.s32 $0x180;
	[sflag:s18] =	ssyncadd.s32 $0xFFFFCE00  }
0x36: {  	[spmem:s2] =	stream.indirect.scatter.add.f32 [tilespmem:s21], [sflag:$0x3], $0x80, s28, s17, $0xb8;
	[tilespmem:$0x10C00] =	vst v63  }
0x37: {  	_ =	swait.ge [sflag:s18], $0x3200  }
0x38: {  	s29 =	smov.u32 s10;
	s28 =	simm.s32 $0x800;
	[sflag:s18] =	ssyncset.done $0x0  }
.LBB2_2:
0x39: {  	p0 =	sne.s32 s28, $0xB800;
	[sflag:s18] =	ssyncadd.s32 $0xFFFFCE00;
	s29 =	sadd.s32 $0x1900, s29  }
0x3a: {  	s30 =	smov.u32 s28;
	s28 =	sadd.s32 $0x800, s28;
	_ =	swait.ge [sflag:s15], $0x6400  }
0x3b: {  	[sflag:s15] =	ssyncset.done $0x0  }
0x3c: {  	s31 =	sadd.s32 $0xFFFFF380, s29;
	[sflag:s15] =	ssyncadd.s32 $0xFFFF9C00  }
0x3d: {  	[tilespmem:s16], [sflag:$0x2] =	stream.linear.gather [hbm4b:s31+s3], $0x6400, $0x38;
	[tilespmem:$0x10C00] =	vst v63  }
0x3e: {  	s30 =	sshra.s32 s30, $0x2  }
0x3f: {  	[spmem:s2] =	stream.indirect.scatter.add.f32 [tilespmem:s14], [sflag:$0x3], $0x80, s30, s17, $0xb8;
	[tilespmem:$0x10C00] =	vst v63  }
0x40: {  	_ =	swait.ge [sflag:s18], $0x3200  }
0x41: {  	[sflag:s18] =	ssyncset.done $0x0  }
0x42: {  	s31 =	sadd.s32 $0x80, s30;
	[sflag:s18] =	ssyncadd.s32 $0xFFFFCE00  }
0x43: {  	[spmem:s2] =	stream.indirect.scatter.add.f32 [tilespmem:s19], [sflag:$0x3], $0x80, s31, s17, $0xb8;
	[tilespmem:$0x10C00] =	vst v63  }
0x44: {  	_ =	swait.ge [sflag:s18], $0x3200  }
0x45: {  	[sflag:s18] =	ssyncset.done $0x0  }
0x46: {  	[sflag:s18] =	ssyncadd.s32 $0xFFFFCE00  }
0x47: {  	_ =	swait.ge [sflag:s20], $0x6400  }
0x48: {  	[sflag:s20] =	ssyncset.done $0x0  }
0x49: {  	[sflag:s20] =	ssyncadd.s32 $0xFFFF9C00  }
0x4a: {  	[tilespmem:s14], [sflag:$0x1] =	stream.linear.gather [hbm4b:s29+s3], $0x6400, $0x38;
	[tilespmem:$0x10C00] =	vst v63  }
0x4b: {  	s31 =	sadd.s32 $0x100, s30  }
0x4c: {  	[spmem:s2] =	stream.indirect.scatter.add.f32 [tilespmem:s16], [sflag:$0x3], $0x80, s31, s17, $0xb8;
	[tilespmem:$0x10C00] =	vst v63  }
0x4d: {  	_ =	swait.ge [sflag:s18], $0x3200  }
.Ltmp0:
0x4e: {  	[sflag:s18] =	ssyncset.done $0x0;
	(pc) =	sbr.rel @p0 .LBB2_2-.Ltmp0, $4  }
0x4f: {  	s30 =	sadd.s32 $0x180, s30;
	[sflag:s18] =	ssyncadd.s32 $0xFFFFCE00  }
0x50: {  	[spmem:s2] =	stream.indirect.scatter.add.f32 [tilespmem:s21], [sflag:$0x3], $0x80, s30, s17, $0xb8;
	[tilespmem:$0x10C00] =	vst v63  }
0x51: {  	_ =	swait.ge [sflag:s18], $0x3200  }
0x52: {  	[sflag:s18] =	ssyncset.done $0x0  }
0x53: {  	[sflag:s18] =	ssyncadd.s32 $0xFFFFCE00  }
0x54: {  	_ =	swait.ge [sflag:s15], $0x6400  }
0x55: {  	[sflag:s15] =	ssyncset.done $0x0  }
0x56: {  	[sflag:s15] =	ssyncadd.s32 $0xFFFF9C00  }
0x57: {  	[tilespmem:s16], [sflag:$0x2] =	stream.linear.gather [hbm4b:s7+s3], $0x6400, $0x38;
	[tilespmem:$0x10C00] =	vst v63  }
0x58: {  	_ = 	snop  }
0x59: {  	[spmem:s2] =	stream.indirect.scatter.add.f32 [tilespmem:s14], [sflag:$0x3], $0x80, s22, s17, $0xb8;
	[tilespmem:$0x10C00] =	vst v63  }
0x5a: {  	_ =	swait.ge [sflag:s18], $0x3200  }
0x5b: {  	[sflag:s18] =	ssyncset.done $0x0  }
0x5c: {  	[sflag:s18] =	ssyncadd.s32 $0xFFFFCE00  }
0x5d: {  	[spmem:s2] =	stream.indirect.scatter.add.f32 [tilespmem:s19], [sflag:$0x3], $0x80, s23, s17, $0xb8;
	[tilespmem:$0x10C00] =	vst v63  }
0x5e: {  	_ =	swait.ge [sflag:s18], $0x3200  }
0x5f: {  	[sflag:s18] =	ssyncset.done $0x0  }
0x60: {  	[sflag:s18] =	ssyncadd.s32 $0xFFFFCE00  }
0x61: {  	_ =	swait.ge [sflag:s20], $0x6400  }
0x62: {  	[sflag:s20] =	ssyncset.done $0x0  }
0x63: {  	[sflag:s20] =	ssyncadd.s32 $0xFFFF9C00  }
0x64: {  	[spmem:s2] =	stream.indirect.scatter.add.f32 [tilespmem:s16], [sflag:$0x3], $0x80, s24, s17, $0xb8;
	[tilespmem:$0x10C00] =	vst v63  }
0x65: {  	_ =	swait.ge [sflag:s18], $0x3200  }
0x66: {  	[sflag:s18] =	ssyncset.done $0x0  }
0x67: {  	[sflag:s18] =	ssyncadd.s32 $0xFFFFCE00  }
0x68: {  	[spmem:s2] =	stream.indirect.scatter.add.f32 [tilespmem:s21], [sflag:$0x3], $0x80, s25, s17, $0xb8;
	[tilespmem:$0x10C00] =	vst v63  }
0x69: {  	_ =	swait.ge [sflag:s18], $0x3200  }
0x6a: {  	s26 =	sadd.s32 $0x1, s26;
	[sflag:s18] =	ssyncset.done $0x0  }
0x6b: {  	p0 =	sne.s32 s26, s9;
	[sflag:s18] =	ssyncadd.s32 $0xFFFFCE00  }
.Ltmp1:
0x6c: {  	[bflag:$0x0] =	sbarrier.arrive $0xFFFF;
	(pc) =	sbr.rel @p0 .LBB2_1-.Ltmp1, $4  }
0x6d: {  	[hbm:s8], [sflag:s12] =	dma.local [spmem:s13], $0x200  }
0x6e: {  	_ =	swait.ge [sflag:s11], $0x200  }
0x6f: {  	[sflag:s11] =	ssyncset.done $0x0  }
0x70: {  	[sflag:s11] =	ssyncadd.s32 $0xFFFFFE00  }
0x71: {  	_ =	sfence.sel $0x180000  }
0x72: {  	[bflag:$0x0] =	sbarrier.arrive $0xFFFF  }
0x73: {  	p0 =	sne.s32 s1, $0x0;
	_ =	strace $0x90000047  }
0x74: {  	s0 =	sadd.s32 @!p0 $0x100000, s0;
	[bflag:$0x2] =	sbarrier.arrive $0xFFFF  }
0x75: {  	[sflag:s0] =	ssyncadd.tile.s32 @!p0 $0x1;
	_ =	shalt  }
.Lfunc_end2:
_tile_overlayer_lowered:
.L_overlay_start_2:
0x76: {  	(tag) =	ssettag $0x2  }
0x77: {  	s0 =	rddreg [dreg:$0x0];
	s2 =	stileid.u32  }
0x78: {  	s1 =	rddreg [dreg:$0x1];
	p0 =	sne.s32 s2, $0x0  }
0x79: {  	s3 =	rddreg [dreg:$0x2];
	[bflag:$0x3] =	sbarrier.arrive $0xFFFF;
	s2 =	simm.s32 @!p0 $0x1C04  }
0x7a: {  	[timem:s3], [sflag:s2] =	dma.local @!p0 [hbm:s0], s1  }
0x7b: {  	s0 =	simm.s32 @!p0 $0x4  }
0x7c: {  	_ =	swait.ge @!p0 [sflag:s0], s1  }
0x7d: {  	s1 =	ssub.s32 @!p0 $0x0, s1;
	[sflag:s0] =	ssyncset.done @!p0 $0x0  }
0x7e: {  	[sflag:s0] =	ssyncadd.s32 @!p0 s1  }
0x7f: {  	[bflag:$0x3] =	sbarrier.arrive $0xFFFF  }
0x80: {  	_ =	shalt  }

</sc_bundles>
